<compile_context>
chip_gen: v7x
topology: tpu7x:2x2x1
jax: 0.10.2.dev20260603
libtpu: 0.0.44.dev20260713+nightly
codegen_flags: <defaults>
</compile_context>

<pallas_src>
import functools

import jax
import jax.numpy as jnp
from jax import lax
from jax.experimental import pallas as pl
from jax.experimental.pallas import tpu as pltpu
from jax.experimental.pallas import tpu_sc as plsc

N_NODES = 10000
D = 128
NS = 16
NC = 2
ACC_ROWS = 10240
CHUNK = 128
ROWS_PT = ACC_ROWS // NS
TAIL_ROWS = N_NODES - (NS - 1) * ROWS_PT
PAD_DST = N_NODES + 64


def _make_agg(n_chunks):
    mesh = plsc.VectorSubcoreMesh(core_axis_name="c", subcore_axis_name="s")
    ept = n_chunks * CHUNK

    @functools.partial(
        pl.kernel,
        mesh=mesh,
        out_type=jax.ShapeDtypeStruct((NC, N_NODES, D), jnp.float32),
        scratch_types=[
            pltpu.VMEM((CHUNK,), jnp.int32),
            pltpu.VMEM((CHUNK,), jnp.int32),
            pltpu.VMEM((CHUNK, D), jnp.float32),
            pltpu.VMEM_SHARED((ACC_ROWS, D), jnp.float32),
            pltpu.SemaphoreType.DMA,
        ],
    )
    def agg(x_hbm, src_hbm, dst_hbm, zero_hbm, out_hbm,
            src_v, dst_v, rows_v, acc, sem):
        c = lax.axis_index("c")
        s = lax.axis_index("s")
        wid = c * NS + s
        r0 = s * ROWS_PT

        @pl.when(jnp.logical_and(c == 0, s < NS - 1))
        def _():
            pltpu.sync_copy(x_hbm.at[pl.ds(r0, ROWS_PT)],
                            acc.at[pl.ds(r0, ROWS_PT)])

        @pl.when(jnp.logical_and(c == 0, s == NS - 1))
        def _():
            pltpu.sync_copy(x_hbm.at[pl.ds(r0, TAIL_ROWS)],
                            acc.at[pl.ds(r0, TAIL_ROWS)])

        @pl.when(c != 0)
        def _():
            pltpu.sync_copy(zero_hbm, acc.at[pl.ds(r0, ROWS_PT)])

        plsc.subcore_barrier()

        base = wid * ept

        def body(k, carry):
            off = base + k * CHUNK
            pltpu.sync_copy(src_hbm.at[pl.ds(off, CHUNK)], src_v)
            pltpu.sync_copy(dst_hbm.at[pl.ds(off, CHUNK)], dst_v)
            pltpu.async_copy(x_hbm.at[src_v], rows_v, sem).wait()
            pltpu.sync_copy(rows_v, acc.at[dst_v], add=True)
            return carry

        lax.fori_loop(0, n_chunks, body, 0)
        plsc.subcore_barrier()

        @pl.when(s < NS - 1)
        def _():
            pltpu.sync_copy(acc.at[pl.ds(r0, ROWS_PT)],
                            out_hbm.at[c, pl.ds(r0, ROWS_PT)])

        @pl.when(s == NS - 1)
        def _():
            pltpu.sync_copy(acc.at[pl.ds(r0, TAIL_ROWS)],
                            out_hbm.at[c, pl.ds(r0, TAIL_ROWS)])

    return agg


def _mlp_body(p_ref, w1_ref, b1_ref, g_ref, be_ref, w2_ref, b2_ref, o_ref):
    h = p_ref[0] + p_ref[1]
    h1 = lax.dot_general(h, w1_ref[...], (((1,), (1,)), ((), ())),
                         preferred_element_type=jnp.float32) + b1_ref[...]
    mean = jnp.mean(h1, axis=0, keepdims=True)
    d = h1 - mean
    var = jnp.mean(d * d, axis=0, keepdims=True)
    hn = d * (lax.rsqrt(var + 1e-5) * g_ref[...]) + be_ref[...]
    hr = jnp.maximum(hn, 0.0)
    o_ref[...] = lax.dot_general(hr, w2_ref[...], (((1,), (1,)), ((), ())),
                                 preferred_element_type=jnp.float32) + b2_ref[...]


def kernel(x, edge_index, edge_attr, W1, b1, gamma, beta, W2, b2):
    del edge_attr
    src = edge_index[0].astype(jnp.int32)
    dst = edge_index[1].astype(jnp.int32)
    e = src.shape[0]
    grain = 32 * CHUNK
    e_pad = ((e + grain - 1) // grain) * grain
    if e_pad != e:
        pad = e_pad - e
        src = jnp.concatenate([src, jnp.zeros((pad,), jnp.int32)])
        dst = jnp.concatenate([dst, jnp.full((pad,), PAD_DST, jnp.int32)])
    n_chunks = e_pad // grain
    zeros = jnp.zeros((ACC_ROWS // NS, D), jnp.float32)

    parts = _make_agg(n_chunks)(x, src, dst, zeros)

    return pl.pallas_call(
        _mlp_body,
        out_shape=jax.ShapeDtypeStruct((N_NODES, D), jnp.float32),
    )(parts, W1, b1.reshape(1, D), gamma.reshape(1, D), beta.reshape(1, D),
      W2, b2.reshape(1, D))

# --- scband reference (transcript-rebuilt; emitter-appended) ---
"""Pipeline reference for scband-original-ginconv-29643864277575 (READ-ONLY COPY).

The authoritative reference and input builder live on the scoring server;
editing this copy changes nothing except your own understanding.
"""

import jax, jax.numpy as jnp
import numpy as np

N_NODES = 10000
N_EDGES = 320000
D_IN = 128
D_EMB = 128


def setup_inputs(seed: int = 0) -> dict:
    key = jax.random.key(seed)
    ks = jax.random.split(key, 10)
    x = jax.random.normal(ks[0], (N_NODES, D_IN), dtype=jnp.float32)
    edge_index = jax.random.randint(ks[1], (2, N_EDGES), 0, N_NODES, dtype=jnp.int64)
    edge_attr = jax.random.normal(ks[2], (N_EDGES, 16), dtype=jnp.float32)
    # MLP params: Linear(D_IN, D_EMB) -> BatchNorm1d(D_EMB) -> ReLU -> Linear(D_EMB, D_EMB)
    lim1 = 1.0 / np.sqrt(D_IN)
    W1 = jax.random.uniform(ks[3], (D_EMB, D_IN), minval=-lim1, maxval=lim1, dtype=jnp.float32)
    b1 = jax.random.uniform(ks[4], (D_EMB,), minval=-lim1, maxval=lim1, dtype=jnp.float32)
    gamma = jnp.ones((D_EMB,), dtype=jnp.float32)
    beta = jnp.zeros((D_EMB,), dtype=jnp.float32)
    lim2 = 1.0 / np.sqrt(D_EMB)
    W2 = jax.random.uniform(ks[5], (D_EMB, D_EMB), minval=-lim2, maxval=lim2, dtype=jnp.float32)
    b2 = jax.random.uniform(ks[6], (D_EMB,), minval=-lim2, maxval=lim2, dtype=jnp.float32)
    return {"x": x, "edge_index": edge_index, "edge_attr": edge_attr,
            "W1": W1, "b1": b1, "gamma": gamma, "beta": beta, "W2": W2, "b2": b2}


def reference(x, edge_index, edge_attr, W1, b1, gamma, beta, W2, b2):
    # PyG GINConv with train_eps=False (eps = 0):
    #   out = mlp((1 + eps) * x + sum_{j in N(i)} x_j)
    # edge_attr is accepted by the wrapper forward but ignored (matches original module).
    src = edge_index[0]
    dst = edge_index[1]
    msgs = jnp.take(x, src, axis=0)                                   # gather (SparseCore)
    agg = jax.ops.segment_sum(msgs, dst, num_segments=x.shape[0])      # scatter-add
    h = x + agg                                                        # eps = 0
    # Linear 1
    h = h @ W1.T + b1
    # BatchNorm1d (training mode: batch statistics, eps=1e-5)
    mean = jnp.mean(h, axis=0)
    var = jnp.var(h, axis=0)
    h = (h - mean) / jnp.sqrt(var + 1e-5) * gamma + beta
    # ReLU
    h = jax.nn.relu(h)
    # Linear 2
    out = h @ W2.T + b2
    return out

if __name__ == "__main__":
    import jax
    _d = setup_inputs()
    print(jax.jit(kernel)(*tuple(_d.values())))

</pallas_src>

<mosaic_0001>
#map = affine_map<(d0, d1) -> (0, 0)>
#map1 = affine_map<(d0, d1) -> (0)>
#map2 = affine_map<(d0, d1) -> (0, 0, 0)>
module attributes {stable_mosaic.version = 14 : i64} {
  func.func @agg(%arg0: i32, %arg1: i32, %arg2: memref<10000x128xf32, #tpu.memory_space<hbm>>, %arg3: memref<323584xi32, #tpu.memory_space<hbm>>, %arg4: memref<323584xi32, #tpu.memory_space<hbm>>, %arg5: memref<640x128xf32, #tpu.memory_space<hbm>>, %arg6: memref<2x10000x128xf32, #tpu.memory_space<hbm>>, %arg7: memref<128xi32, #tpu.memory_space<vmem>>, %arg8: memref<128xi32, #tpu.memory_space<vmem>>, %arg9: memref<128x128xf32, #tpu.memory_space<vmem>>, %arg10: memref<10240x128xf32, #tpu.memory_space<vmem_shared>>, %arg11: memref<!tpu.dma_semaphore, #tpu.memory_space<semaphore_mem>>) attributes {dimension_semantics = [#tpu.dimension_semantics<core_parallel>, #tpu.dimension_semantics<subcore_parallel>], iteration_bounds = array<i64: 2, 16>, scalar_prefetch = 0 : i64, scratch_operands = 5 : i64, tpu.core_type = #tpu.core_type<sc_vector_subcore>, window_params = [{transform_indices = #map}, {transform_indices = #map1}, {transform_indices = #map1}, {transform_indices = #map}, {transform_indices = #map2}]} {
    %mul3A = arith.constant 16 : i32
    %mul3A_0 = arith.muli %arg0, %mul3A : i32
    %add3A = arith.addi %mul3A_0, %arg1 : i32
    %mul3A_1 = arith.constant 640 : i32
    %mul3A_2 = arith.muli %arg1, %mul3A_1 : i32
    %eq3A = arith.constant 0 : i32
    %eq3A_3 = arith.cmpi eq, %arg0, %eq3A : i32
    %lt3A = arith.constant 15 : i32
    %lt3A_4 = arith.cmpi slt, %arg1, %lt3A : i32
    %and3A = arith.andi %eq3A_3, %lt3A_4 : i1
    %convert_element_type3A = arith.extui %and3A : i1 to i32
    %cond3A = arith.constant 0 : i32
    %cond3A_5 = arith.cmpi ne, %convert_element_type3A, %cond3A : i32
    scf.if %cond3A_5 {
      "tpu.region"() ({
        %run_scoped3A = tpu.sem_alloc : memref<!tpu.dma_semaphore, #tpu.memory_space<semaphore_mem>>
        %dma_start3A = arith.constant 0 : i32
        %dma_start3A_36 = tpu.memref_slice %arg10[%mul3A_2, %dma_start3A] : memref<10240x128xf32, #tpu.memory_space<vmem_shared>> -> memref<640x128xf32, #tpu.memory_space<vmem_shared>>
        %dma_start3A_37 = arith.constant 0 : i32
        %dma_start3A_38 = tpu.memref_slice %arg2[%mul3A_2, %dma_start3A_37] : memref<10000x128xf32, #tpu.memory_space<hbm>> -> memref<640x128xf32, #tpu.memory_space<hbm>>
        tpu.enqueue_dma source(%dma_start3A_38 : memref<640x128xf32, #tpu.memory_space<hbm>>) target(%dma_start3A_36 : memref<640x128xf32, #tpu.memory_space<vmem_shared>>) target_semaphore(%run_scoped3A : memref<!tpu.dma_semaphore, #tpu.memory_space<semaphore_mem>>)
        %dma_wait3A = arith.constant 0 : i32
        %dma_wait3A_39 = tpu.memref_slice %arg10[%mul3A_2, %dma_wait3A] : memref<10240x128xf32, #tpu.memory_space<vmem_shared>> -> memref<640x128xf32, #tpu.memory_space<vmem_shared>>
        %dma_wait3A_40 = arith.constant 0 : i32
        %dma_wait3A_41 = tpu.memref_slice %arg2[%mul3A_2, %dma_wait3A_40] : memref<10000x128xf32, #tpu.memory_space<hbm>> -> memref<640x128xf32, #tpu.memory_space<hbm>>
        tpu.wait_dma2 semaphore(%run_scoped3A : memref<!tpu.dma_semaphore, #tpu.memory_space<semaphore_mem>>) src(%dma_wait3A_41 : memref<640x128xf32, #tpu.memory_space<hbm>>) dst(%dma_wait3A_39 : memref<640x128xf32, #tpu.memory_space<vmem_shared>>)
        tpu.yield
      }) : () -> ()
    } else {
    }
    %eq3A_6 = arith.constant 0 : i32
    %eq3A_7 = arith.cmpi eq, %arg0, %eq3A_6 : i32
    %eq3A_8 = arith.constant 15 : i32
    %eq3A_9 = arith.cmpi eq, %arg1, %eq3A_8 : i32
    %and3A_10 = arith.andi %eq3A_7, %eq3A_9 : i1
    %convert_element_type3A_11 = arith.extui %and3A_10 : i1 to i32
    %cond3A_12 = arith.constant 0 : i32
    %cond3A_13 = arith.cmpi ne, %convert_element_type3A_11, %cond3A_12 : i32
    scf.if %cond3A_13 {
      "tpu.region"() ({
        %run_scoped3A = tpu.sem_alloc : memref<!tpu.dma_semaphore, #tpu.memory_space<semaphore_mem>>
        %dma_start3A = arith.constant 0 : i32
        %dma_start3A_36 = tpu.memref_slice %arg10[%mul3A_2, %dma_start3A] : memref<10240x128xf32, #tpu.memory_space<vmem_shared>> -> memref<400x128xf32, #tpu.memory_space<vmem_shared>>
        %dma_start3A_37 = arith.constant 0 : i32
        %dma_start3A_38 = tpu.memref_slice %arg2[%mul3A_2, %dma_start3A_37] : memref<10000x128xf32, #tpu.memory_space<hbm>> -> memref<400x128xf32, #tpu.memory_space<hbm>>
        tpu.enqueue_dma source(%dma_start3A_38 : memref<400x128xf32, #tpu.memory_space<hbm>>) target(%dma_start3A_36 : memref<400x128xf32, #tpu.memory_space<vmem_shared>>) target_semaphore(%run_scoped3A : memref<!tpu.dma_semaphore, #tpu.memory_space<semaphore_mem>>)
        %dma_wait3A = arith.constant 0 : i32
        %dma_wait3A_39 = tpu.memref_slice %arg10[%mul3A_2, %dma_wait3A] : memref<10240x128xf32, #tpu.memory_space<vmem_shared>> -> memref<400x128xf32, #tpu.memory_space<vmem_shared>>
        %dma_wait3A_40 = arith.constant 0 : i32
        %dma_wait3A_41 = tpu.memref_slice %arg2[%mul3A_2, %dma_wait3A_40] : memref<10000x128xf32, #tpu.memory_space<hbm>> -> memref<400x128xf32, #tpu.memory_space<hbm>>
        tpu.wait_dma2 semaphore(%run_scoped3A : memref<!tpu.dma_semaphore, #tpu.memory_space<semaphore_mem>>) src(%dma_wait3A_41 : memref<400x128xf32, #tpu.memory_space<hbm>>) dst(%dma_wait3A_39 : memref<400x128xf32, #tpu.memory_space<vmem_shared>>)
        tpu.yield
      }) : () -> ()
    } else {
    }
    %ne3A = arith.constant 0 : i32
    %ne3A_14 = arith.cmpi ne, %arg0, %ne3A : i32
    %convert_element_type3A_15 = arith.extui %ne3A_14 : i1 to i32
    %cond3A_16 = arith.constant 0 : i32
    %cond3A_17 = arith.cmpi ne, %convert_element_type3A_15, %cond3A_16 : i32
    scf.if %cond3A_17 {
      "tpu.region"() ({
        %run_scoped3A = tpu.sem_alloc : memref<!tpu.dma_semaphore, #tpu.memory_space<semaphore_mem>>
        %dma_start3A = arith.constant 0 : i32
        %dma_start3A_36 = tpu.memref_slice %arg10[%mul3A_2, %dma_start3A] : memref<10240x128xf32, #tpu.memory_space<vmem_shared>> -> memref<640x128xf32, #tpu.memory_space<vmem_shared>>
        tpu.enqueue_dma source(%arg5 : memref<640x128xf32, #tpu.memory_space<hbm>>) target(%dma_start3A_36 : memref<640x128xf32, #tpu.memory_space<vmem_shared>>) target_semaphore(%run_scoped3A : memref<!tpu.dma_semaphore, #tpu.memory_space<semaphore_mem>>)
        %dma_wait3A = arith.constant 0 : i32
        %dma_wait3A_37 = tpu.memref_slice %arg10[%mul3A_2, %dma_wait3A] : memref<10240x128xf32, #tpu.memory_space<vmem_shared>> -> memref<640x128xf32, #tpu.memory_space<vmem_shared>>
        tpu.wait_dma2 semaphore(%run_scoped3A : memref<!tpu.dma_semaphore, #tpu.memory_space<semaphore_mem>>) src(%arg5 : memref<640x128xf32, #tpu.memory_space<hbm>>) dst(%dma_wait3A_37 : memref<640x128xf32, #tpu.memory_space<vmem_shared>>)
        tpu.yield
      }) : () -> ()
    } else {
    }
    %barrier3A = arith.constant 0 : index
    tpu.barrier barrier_id(%barrier3A)
    %mul3A_18 = arith.constant 10112 : i32
    %mul3A_19 = arith.muli %add3A, %mul3A_18 : i32
    %scan3A = arith.constant 0 : i32
    %scan3A_20 = arith.constant 0 : i32
    %scan3A_21 = arith.constant 79 : i32
    %scan3A_22 = arith.addi %scan3A_20, %scan3A_21 : i32
    %scan3A_23 = arith.constant 1 : i32
    scf.for %scan3A_36 = %scan3A_20 to %scan3A_22 step %scan3A_23  : i32 {
      %mul3A_37 = arith.constant 128 : i32
      %mul3A_38 = arith.muli %scan3A_36, %mul3A_37 : i32
      %add3A_39 = arith.addi %mul3A_19, %mul3A_38 : i32
      "tpu.region"() ({
        %run_scoped3A = tpu.sem_alloc : memref<!tpu.dma_semaphore, #tpu.memory_space<semaphore_mem>>
        %dma_start3A_44 = tpu.memref_slice %arg3[%add3A_39] : memref<323584xi32, #tpu.memory_space<hbm>> -> memref<128xi32, #tpu.memory_space<hbm>>
        %dma_start3A_45 = tpu.memref_slice %arg3[%add3A_39] : memref<323584xi32, #tpu.memory_space<hbm>> -> memref<128xi32, #tpu.memory_space<hbm>>
        tpu.enqueue_dma source(%dma_start3A_45 : memref<128xi32, #tpu.memory_space<hbm>>) target(%arg7 : memref<128xi32, #tpu.memory_space<vmem>>) target_semaphore(%run_scoped3A : memref<!tpu.dma_semaphore, #tpu.memory_space<semaphore_mem>>)
        %dma_wait3A_46 = tpu.memref_slice %arg3[%add3A_39] : memref<323584xi32, #tpu.memory_space<hbm>> -> memref<128xi32, #tpu.memory_space<hbm>>
        %dma_wait3A_47 = tpu.memref_slice %arg3[%add3A_39] : memref<323584xi32, #tpu.memory_space<hbm>> -> memref<128xi32, #tpu.memory_space<hbm>>
        tpu.wait_dma2 semaphore(%run_scoped3A : memref<!tpu.dma_semaphore, #tpu.memory_space<semaphore_mem>>) src(%dma_wait3A_47 : memref<128xi32, #tpu.memory_space<hbm>>) dst(%arg7 : memref<128xi32, #tpu.memory_space<vmem>>)
        tpu.yield
      }) : () -> ()
      "tpu.region"() ({
        %run_scoped3A = tpu.sem_alloc : memref<!tpu.dma_semaphore, #tpu.memory_space<semaphore_mem>>
        %dma_start3A_44 = tpu.memref_slice %arg4[%add3A_39] : memref<323584xi32, #tpu.memory_space<hbm>> -> memref<128xi32, #tpu.memory_space<hbm>>
        %dma_start3A_45 = tpu.memref_slice %arg4[%add3A_39] : memref<323584xi32, #tpu.memory_space<hbm>> -> memref<128xi32, #tpu.memory_space<hbm>>
        tpu.enqueue_dma source(%dma_start3A_45 : memref<128xi32, #tpu.memory_space<hbm>>) target(%arg8 : memref<128xi32, #tpu.memory_space<vmem>>) target_semaphore(%run_scoped3A : memref<!tpu.dma_semaphore, #tpu.memory_space<semaphore_mem>>)
        %dma_wait3A_46 = tpu.memref_slice %arg4[%add3A_39] : memref<323584xi32, #tpu.memory_space<hbm>> -> memref<128xi32, #tpu.memory_space<hbm>>
        %dma_wait3A_47 = tpu.memref_slice %arg4[%add3A_39] : memref<323584xi32, #tpu.memory_space<hbm>> -> memref<128xi32, #tpu.memory_space<hbm>>
        tpu.wait_dma2 semaphore(%run_scoped3A : memref<!tpu.dma_semaphore, #tpu.memory_space<semaphore_mem>>) src(%dma_wait3A_47 : memref<128xi32, #tpu.memory_space<hbm>>) dst(%arg8 : memref<128xi32, #tpu.memory_space<vmem>>)
        tpu.yield
      }) : () -> ()
      %dma_start3A = arith.constant 0 : i32
      %dma_start3A_40 = arith.constant 0 : i32
      %dma_start3A_41 = tpu.memref_slice %arg2[%dma_start3A, %dma_start3A_40] : memref<10000x128xf32, #tpu.memory_space<hbm>> -> memref<10000x128xf32, #tpu.memory_space<hbm>>
      tpu.enqueue_indirect_dma source(%dma_start3A_41 : memref<10000x128xf32, #tpu.memory_space<hbm>>) target(%arg9 : memref<128x128xf32, #tpu.memory_space<vmem>>) offsets(%arg7 : memref<128xi32, #tpu.memory_space<vmem>>) semaphore(%arg11 : memref<!tpu.dma_semaphore, #tpu.memory_space<semaphore_mem>>)
      %dma_wait3A = arith.constant 0 : i32
      %dma_wait3A_42 = arith.constant 0 : i32
      %dma_wait3A_43 = tpu.memref_slice %arg2[%dma_wait3A, %dma_wait3A_42] : memref<10000x128xf32, #tpu.memory_space<hbm>> -> memref<10000x128xf32, #tpu.memory_space<hbm>>
      tpu.wait_indirect_dma semaphore(%arg11 : memref<!tpu.dma_semaphore, #tpu.memory_space<semaphore_mem>>) src(%dma_wait3A_43 : memref<10000x128xf32, #tpu.memory_space<hbm>>) dst(%arg9 : memref<128x128xf32, #tpu.memory_space<vmem>>)
      "tpu.region"() ({
        %run_scoped3A = tpu.sem_alloc : memref<!tpu.dma_semaphore, #tpu.memory_space<semaphore_mem>>
        %dma_start3A_44 = arith.constant 0 : i32
        %dma_start3A_45 = arith.constant 0 : i32
        %dma_start3A_46 = tpu.memref_slice %arg10[%dma_start3A_44, %dma_start3A_45] : memref<10240x128xf32, #tpu.memory_space<vmem_shared>> -> memref<10240x128xf32, #tpu.memory_space<vmem_shared>>
        tpu.enqueue_indirect_dma source(%arg9 : memref<128x128xf32, #tpu.memory_space<vmem>>) target(%dma_start3A_46 : memref<10240x128xf32, #tpu.memory_space<vmem_shared>>) offsets(%arg8 : memref<128xi32, #tpu.memory_space<vmem>>) semaphore(%run_scoped3A : memref<!tpu.dma_semaphore, #tpu.memory_space<semaphore_mem>>) {add = true}
        %dma_wait3A_47 = arith.constant 0 : i32
        %dma_wait3A_48 = arith.constant 0 : i32
        %dma_wait3A_49 = tpu.memref_slice %arg10[%dma_wait3A_47, %dma_wait3A_48] : memref<10240x128xf32, #tpu.memory_space<vmem_shared>> -> memref<10240x128xf32, #tpu.memory_space<vmem_shared>>
        tpu.wait_indirect_dma semaphore(%run_scoped3A : memref<!tpu.dma_semaphore, #tpu.memory_space<semaphore_mem>>) src(%arg9 : memref<128x128xf32, #tpu.memory_space<vmem>>) dst(%dma_wait3A_49 : memref<10240x128xf32, #tpu.memory_space<vmem_shared>>)
        tpu.yield
      }) : () -> ()
    }
    %scan3A_24 = arith.constant 79 : i32
    %barrier3A_25 = arith.constant 0 : index
    tpu.barrier barrier_id(%barrier3A_25)
    %lt3A_26 = arith.constant 15 : i32
    %lt3A_27 = arith.cmpi slt, %arg1, %lt3A_26 : i32
    %convert_element_type3A_28 = arith.extui %lt3A_27 : i1 to i32
    %cond3A_29 = arith.constant 0 : i32
    %cond3A_30 = arith.cmpi ne, %convert_element_type3A_28, %cond3A_29 : i32
    scf.if %cond3A_30 {
      "tpu.region"() ({
        %run_scoped3A = tpu.sem_alloc : memref<!tpu.dma_semaphore, #tpu.memory_space<semaphore_mem>>
        %dma_start3A = arith.constant 0 : i32
        %dma_start3A_36 = tpu.memref_slice %arg6[%arg0, %mul3A_2, %dma_start3A] : memref<2x10000x128xf32, #tpu.memory_space<hbm>> -> memref<1x640x128xf32, #tpu.memory_space<hbm>>
        %dma_start3A_37 = tpu.memref_squeeze %dma_start3A_36 : memref<1x640x128xf32, #tpu.memory_space<hbm>> -> memref<640x128xf32, #tpu.memory_space<hbm>>
        %dma_start3A_38 = arith.constant 0 : i32
        %dma_start3A_39 = tpu.memref_slice %arg10[%mul3A_2, %dma_start3A_38] : memref<10240x128xf32, #tpu.memory_space<vmem_shared>> -> memref<640x128xf32, #tpu.memory_space<vmem_shared>>
        tpu.enqueue_dma source(%dma_start3A_39 : memref<640x128xf32, #tpu.memory_space<vmem_shared>>) target(%dma_start3A_37 : memref<640x128xf32, #tpu.memory_space<hbm>>) target_semaphore(%run_scoped3A : memref<!tpu.dma_semaphore, #tpu.memory_space<semaphore_mem>>)
        %dma_wait3A = arith.constant 0 : i32
        %dma_wait3A_40 = tpu.memref_slice %arg6[%arg0, %mul3A_2, %dma_wait3A] : memref<2x10000x128xf32, #tpu.memory_space<hbm>> -> memref<1x640x128xf32, #tpu.memory_space<hbm>>
        %dma_wait3A_41 = tpu.memref_squeeze %dma_wait3A_40 : memref<1x640x128xf32, #tpu.memory_space<hbm>> -> memref<640x128xf32, #tpu.memory_space<hbm>>
        %dma_wait3A_42 = arith.constant 0 : i32
        %dma_wait3A_43 = tpu.memref_slice %arg10[%mul3A_2, %dma_wait3A_42] : memref<10240x128xf32, #tpu.memory_space<vmem_shared>> -> memref<640x128xf32, #tpu.memory_space<vmem_shared>>
        tpu.wait_dma2 semaphore(%run_scoped3A : memref<!tpu.dma_semaphore, #tpu.memory_space<semaphore_mem>>) src(%dma_wait3A_43 : memref<640x128xf32, #tpu.memory_space<vmem_shared>>) dst(%dma_wait3A_41 : memref<640x128xf32, #tpu.memory_space<hbm>>)
        tpu.yield
      }) : () -> ()
    } else {
    }
    %eq3A_31 = arith.constant 15 : i32
    %eq3A_32 = arith.cmpi eq, %arg1, %eq3A_31 : i32
    %convert_element_type3A_33 = arith.extui %eq3A_32 : i1 to i32
    %cond3A_34 = arith.constant 0 : i32
    %cond3A_35 = arith.cmpi ne, %convert_element_type3A_33, %cond3A_34 : i32
    scf.if %cond3A_35 {
      "tpu.region"() ({
        %run_scoped3A = tpu.sem_alloc : memref<!tpu.dma_semaphore, #tpu.memory_space<semaphore_mem>>
        %dma_start3A = arith.constant 0 : i32
        %dma_start3A_36 = tpu.memref_slice %arg6[%arg0, %mul3A_2, %dma_start3A] : memref<2x10000x128xf32, #tpu.memory_space<hbm>> -> memref<1x400x128xf32, #tpu.memory_space<hbm>>
        %dma_start3A_37 = tpu.memref_squeeze %dma_start3A_36 : memref<1x400x128xf32, #tpu.memory_space<hbm>> -> memref<400x128xf32, #tpu.memory_space<hbm>>
        %dma_start3A_38 = arith.constant 0 : i32
        %dma_start3A_39 = tpu.memref_slice %arg10[%mul3A_2, %dma_start3A_38] : memref<10240x128xf32, #tpu.memory_space<vmem_shared>> -> memref<400x128xf32, #tpu.memory_space<vmem_shared>>
        tpu.enqueue_dma source(%dma_start3A_39 : memref<400x128xf32, #tpu.memory_space<vmem_shared>>) target(%dma_start3A_37 : memref<400x128xf32, #tpu.memory_space<hbm>>) target_semaphore(%run_scoped3A : memref<!tpu.dma_semaphore, #tpu.memory_space<semaphore_mem>>)
        %dma_wait3A = arith.constant 0 : i32
        %dma_wait3A_40 = tpu.memref_slice %arg6[%arg0, %mul3A_2, %dma_wait3A] : memref<2x10000x128xf32, #tpu.memory_space<hbm>> -> memref<1x400x128xf32, #tpu.memory_space<hbm>>
        %dma_wait3A_41 = tpu.memref_squeeze %dma_wait3A_40 : memref<1x400x128xf32, #tpu.memory_space<hbm>> -> memref<400x128xf32, #tpu.memory_space<hbm>>
        %dma_wait3A_42 = arith.constant 0 : i32
        %dma_wait3A_43 = tpu.memref_slice %arg10[%mul3A_2, %dma_wait3A_42] : memref<10240x128xf32, #tpu.memory_space<vmem_shared>> -> memref<400x128xf32, #tpu.memory_space<vmem_shared>>
        tpu.wait_dma2 semaphore(%run_scoped3A : memref<!tpu.dma_semaphore, #tpu.memory_space<semaphore_mem>>) src(%dma_wait3A_43 : memref<400x128xf32, #tpu.memory_space<vmem_shared>>) dst(%dma_wait3A_41 : memref<400x128xf32, #tpu.memory_space<hbm>>)
        tpu.yield
      }) : () -> ()
    } else {
    }
    return
  }
}

module attributes {stable_mosaic.version = 14 : i64} {
  func.func @_mlp_body(%arg0: memref<2x10000x128xf32, #tpu.memory_space<vmem>>, %arg1: memref<128x128xf32, #tpu.memory_space<vmem>>, %arg2: memref<1x128xf32, #tpu.memory_space<vmem>>, %arg3: memref<1x128xf32, #tpu.memory_space<vmem>>, %arg4: memref<1x128xf32, #tpu.memory_space<vmem>>, %arg5: memref<128x128xf32, #tpu.memory_space<vmem>>, %arg6: memref<1x128xf32, #tpu.memory_space<vmem>>, %arg7: memref<10000x128xf32, #tpu.memory_space<vmem>>) attributes {dimension_semantics = [], scalar_prefetch = 0 : i64, scratch_operands = 0 : i64, tpu.core_type = #tpu.core_type<tc>} {
    %get3A = arith.constant 0 : index
    %get3A_0 = arith.constant 0 : index
    %get3A_1 = arith.constant 0 : index
    %get3A_2 = vector.load %arg0[%get3A, %get3A_0, %get3A_1] : memref<2x10000x128xf32, #tpu.memory_space<vmem>>, vector<1x10000x128xf32>
    %get3A_3 = vector.shape_cast %get3A_2 : vector<1x10000x128xf32> to vector<10000x128xf32>
    %get3A_4 = arith.constant 1 : index
    %get3A_5 = arith.constant 0 : index
    %get3A_6 = arith.constant 0 : index
    %get3A_7 = vector.load %arg0[%get3A_4, %get3A_5, %get3A_6] : memref<2x10000x128xf32, #tpu.memory_space<vmem>>, vector<1x10000x128xf32>
    %get3A_8 = vector.shape_cast %get3A_7 : vector<1x10000x128xf32> to vector<10000x128xf32>
    %add3A = arith.addf %get3A_3, %get3A_8 : vector<10000x128xf32>
    %get3A_9 = arith.constant 0 : index
    %get3A_10 = arith.constant 0 : index
    %get3A_11 = vector.load %arg1[%get3A_9, %get3A_10] : memref<128x128xf32, #tpu.memory_space<vmem>>, vector<128x128xf32>
    %dot_general3A = arith.constant dense<0.000000e+00> : vector<10000x128xf32>
    %dot_general3A_12 = tpu.matmul %add3A, %get3A_11, %dot_general3A {dimension_numbers = #tpu.dot_dimension_numbers<[1], [1], [0], [0], [0, 0, 1, 0], [], []>, transpose_lhs_hint = false} : vector<10000x128xf32>, vector<128x128xf32>, vector<10000x128xf32> -> vector<10000x128xf32>
    %get3A_13 = arith.constant 0 : index
    %get3A_14 = arith.constant 0 : index
    %get3A_15 = vector.load %arg2[%get3A_13, %get3A_14] : memref<1x128xf32, #tpu.memory_space<vmem>>, vector<1x128xf32>
    %add3A_16 = vector.broadcast %get3A_15 : vector<1x128xf32> to vector<10000x128xf32>
    %add3A_17 = arith.addf %dot_general3A_12, %add3A_16 : vector<10000x128xf32>
    %reduce_sum3A = arith.constant dense<0.000000e+00> : vector<128xf32>
    %reduce_sum3A_18 = vector.multi_reduction <add>, %add3A_17, %reduce_sum3A [0] : vector<10000x128xf32> to vector<128xf32>
    %broadcast_in_dim3A = vector.shape_cast %reduce_sum3A_18 : vector<128xf32> to vector<1x128xf32>
    %div3A = arith.constant 1.000000e+04 : f32
    %div3A_19 = vector.broadcast %div3A : f32 to vector<1x128xf32>
    %div3A_20 = arith.divf %broadcast_in_dim3A, %div3A_19 : vector<1x128xf32>
    %sub3A = vector.broadcast %div3A_20 : vector<1x128xf32> to vector<10000x128xf32>
    %sub3A_21 = arith.subf %add3A_17, %sub3A : vector<10000x128xf32>
    %mul3A = arith.mulf %sub3A_21, %sub3A_21 : vector<10000x128xf32>
    %reduce_sum3A_22 = arith.constant dense<0.000000e+00> : vector<128xf32>
    %reduce_sum3A_23 = vector.multi_reduction <add>, %mul3A, %reduce_sum3A_22 [0] : vector<10000x128xf32> to vector<128xf32>
    %broadcast_in_dim3A_24 = vector.shape_cast %reduce_sum3A_23 : vector<128xf32> to vector<1x128xf32>
    %div3A_25 = arith.constant 1.000000e+04 : f32
    %div3A_26 = vector.broadcast %div3A_25 : f32 to vector<1x128xf32>
    %div3A_27 = arith.divf %broadcast_in_dim3A_24, %div3A_26 : vector<1x128xf32>
    %add3A_28 = arith.constant 9.99999974E-6 : f32
    %add3A_29 = vector.broadcast %add3A_28 : f32 to vector<1x128xf32>
    %add3A_30 = arith.addf %div3A_27, %add3A_29 : vector<1x128xf32>
    %rsqrt3A = math.rsqrt %add3A_30 : vector<1x128xf32>
    %get3A_31 = arith.constant 0 : index
    %get3A_32 = arith.constant 0 : index
    %get3A_33 = vector.load %arg3[%get3A_31, %get3A_32] : memref<1x128xf32, #tpu.memory_space<vmem>>, vector<1x128xf32>
    %mul3A_34 = arith.mulf %rsqrt3A, %get3A_33 : vector<1x128xf32>
    %mul3A_35 = vector.broadcast %mul3A_34 : vector<1x128xf32> to vector<10000x128xf32>
    %mul3A_36 = arith.mulf %sub3A_21, %mul3A_35 : vector<10000x128xf32>
    %get3A_37 = arith.constant 0 : index
    %get3A_38 = arith.constant 0 : index
    %get3A_39 = vector.load %arg4[%get3A_37, %get3A_38] : memref<1x128xf32, #tpu.memory_space<vmem>>, vector<1x128xf32>
    %add3A_40 = vector.broadcast %get3A_39 : vector<1x128xf32> to vector<10000x128xf32>
    %add3A_41 = arith.addf %mul3A_36, %add3A_40 : vector<10000x128xf32>
    %max3A = arith.constant 0.000000e+00 : f32
    %max3A_42 = vector.broadcast %max3A : f32 to vector<10000x128xf32>
    %max3A_43 = arith.maximumf %add3A_41, %max3A_42 : vector<10000x128xf32>
    %get3A_44 = arith.constant 0 : index
    %get3A_45 = arith.constant 0 : index
    %get3A_46 = vector.load %arg5[%get3A_44, %get3A_45] : memref<128x128xf32, #tpu.memory_space<vmem>>, vector<128x128xf32>
    %dot_general3A_47 = arith.constant dense<0.000000e+00> : vector<10000x128xf32>
    %dot_general3A_48 = tpu.matmul %max3A_43, %get3A_46, %dot_general3A_47 {dimension_numbers = #tpu.dot_dimension_numbers<[1], [1], [0], [0], [0, 0, 1, 0], [], []>, transpose_lhs_hint = false} : vector<10000x128xf32>, vector<128x128xf32>, vector<10000x128xf32> -> vector<10000x128xf32>
    %get3A_49 = arith.constant 0 : index
    %get3A_50 = arith.constant 0 : index
    %get3A_51 = vector.load %arg6[%get3A_49, %get3A_50] : memref<1x128xf32, #tpu.memory_space<vmem>>, vector<1x128xf32>
    %add3A_52 = vector.broadcast %get3A_51 : vector<1x128xf32> to vector<10000x128xf32>
    %add3A_53 = arith.addf %dot_general3A_48, %add3A_52 : vector<10000x128xf32>
    %swap3A = arith.constant 0 : index
    %swap3A_54 = arith.constant 0 : index
    %swap3A_55 = vector.load %arg7[%swap3A, %swap3A_54] : memref<10000x128xf32, #tpu.memory_space<vmem>>, vector<10000x128xf32>
    tpu.vector_store %arg7[%swap3A, %swap3A_54], %add3A_53 {strides = array<i32>} : memref<10000x128xf32, #tpu.memory_space<vmem>>, vector<10000x128xf32>,
    return
  }
}

</mosaic_0001>

<sc_bundles>
// kernel: kernel.4.cloned.1.call-start
scs
__scs_entry_jumppad:
0x0: {  	(pc) =	sbr.rel $0x88, $3  }
0x1: {  	(tag) =	ssettag $0x0;
	lr =	simm.s32 $0x1  }
0x2: {  	[smem:$0x3F99] =	sst lr;
	_ =	strace $0xD0000000  }
0x3: {  	_ = 	snop  }
0x4: {  	_ = 	snop  }
0x5: {  	_ = 	snop  }
0x6: {  	_ = 	snop  }
0x7: {  	_ = 	snop  }
__scs_overlays_trampoline_lowered:
0x8: {  	[smem:$0x3FA8] =	sst s0  }
0x9: {  	[smem:$0x3FA9] =	sst s1  }
0xa: {  	[smem:$0x3FAA] =	sst s2  }
0xb: {  	[smem:$0x3FAB] =	sst s3  }
0xc: {  	[smem:$0x3FAC] =	sst s4  }
0xd: {  	[smem:$0x3FAD] =	sst s5  }
0xe: {  	[smem:$0x3FAE] =	sst s6  }
0xf: {  	[smem:$0x3FAF] =	sst s7  }
0x10: {  	[smem:$0x3FB0] =	sst s8  }
0x11: {  	[smem:$0x3FB1] =	sst s9;
	s0 =	simm.s32 @!p0 $0x0  }
0x12: {  	s1 =	sld [smem:$0x3F97];
	s0 =	simm.s32 @p0 $0x1  }
0x13: {  	[smem:$0x3FB2] =	sst s0;
	s0 =	simm.s32 @!p1 $0x0  }
0x14: {  	s2 =	sld [smem:$0x3F96];
	s0 =	simm.s32 @p1 $0x1  }
0x15: {  	[smem:$0x3FB3] =	sst s0;
	s0 =	simm.s32 @!p2 $0x0  }
0x16: {  	s3 =	sld [smem:$0x3FDB];
	s0 =	simm.s32 @p2 $0x1  }
0x17: {  	s4 =	simm.s32 $0x1BF5;
	[smem:$0x3FB5] =	sst s0  }
0x18: {  	s0 =	sld [smem:$0x3F98];
	_ =	swait.ge [sflag:s4], $0x0  }
0x19: {  	s7 =	sld [smem:$0x3F99]  }
0x1a: {  	s8 =	sadd.s32 $0xFFFFE003, lr  }
0x1b: {  	s9 =	sadd.s32 $0xFFFFFEF7, lr;
	s5 =	simm.s32 $0xFFFFFFFF;
	p2 =	slt.u32 s8, $0xFFFFF086  }
0x1c: {  	p1 =	slt.u32 s9, $0xF7A;
	s5 =	simm.s32 @!p2 $0x0  }
0x1d: {  	s5 =	simm.s32 @p1 $0x1;
	p0 =	seq.s32 s7, s2  }
0x1e: {  	s7 =	smul.u32 @!p0 $0xF7A, s2;
	p2 =	seq.s32 @!p0 s5, $0x0  }
0x1f: {  	s9 =	smul.u32 $0xF7A, s1;
	s8 =	simm.s32 @!p0 $0x1BF5;
	p2 =	por !p2, p0  }
0x20: {  	[sflag:s8] =	ssyncset.s32 @!p0 $0xFFFFF086;
	s6 =	sadd.s32 @!p0 s3, s7;
	s7 =	simm.s32 @!p0 $0x108  }
0x21: {  	s3 =	sadd.s32 s3, s9;
	s6 =	sadd.s32 @!p0 $0x88, s6;
	s7 =	simm.s32 @p2 $0x1082  }
0x22: {  	[simem:s7], [sflag:s8] =	dma.local @!p0 [hbm:s6], $0xF7A  }
0x23: {  	s9 =	sor.u32 $0xD0000000, s2;
	s6 =	simm.s32 $0x108;
	_ =	swait.ge @!p0 [sflag:s8], $0x0  }
0x24: {  	s3 =	sadd.s32 $0x88, s3;
	s6 =	simm.s32 @!p1 $0x1082;
	[sflag:s4] =	ssyncset.s32 $0xFFFFF086  }
0x25: {  	[simem:s6], [sflag:s4] =	dma.local [hbm:s3], $0xF7A  }
0x26: {  	[smem:$0x3F99] =	sst s1;
	(tag) =	ssettag s2;
	_ =	strace s9  }
0x27: {  	s1 =	sld [smem:$0x3FA9]  }
0x28: {  	s2 =	sld [smem:$0x3FAA]  }
0x29: {  	s4 =	sld [smem:$0x3FAC]  }
0x2a: {  	p0 =	seq.s32 s5, $0x0;
	s5 =	sld [smem:$0x3FAD]  }
0x2b: {  	s6 =	sld [smem:$0x3FAE]  }
0x2c: {  	s7 =	sld [smem:$0x3FAF]  }
0x2d: {  	s3 =	simm.s32 $0x108;
	s8 =	sld [smem:$0x3FB0]  }
0x2e: {  	s3 =	simm.s32 @!p0 $0x1082;
	s9 =	sld [smem:$0x3FB1]  }
0x2f: {  	lr =	sadd.s32 s0, s3;
	s0 =	sld [smem:$0x3FA8]  }
0x30: {  	s3 =	sld [smem:$0x3FAB]  }
0x31: {  	[smem:$0x3FB4] =	sst s10  }
0x32: {  	s10 =	sld [smem:$0x3FB2];
	_ =	sdelay $0x3  }
0x33: {  	p0 =	seq.s32 s10, $0x1;
	s10 =	sld [smem:$0x3FB4];
	_ =	sdelay $0x3  }
0x34: {  	[smem:$0x3FB4] =	sst s10  }
0x35: {  	s10 =	sld [smem:$0x3FB3];
	_ =	sdelay $0x3  }
0x36: {  	p1 =	seq.s32 s10, $0x1;
	s10 =	sld [smem:$0x3FB4];
	_ =	sdelay $0x3  }
0x37: {  	[smem:$0x3FB4] =	sst s10  }
0x38: {  	s10 =	sld [smem:$0x3FB5]  }
0x39: {  	_ = 	snop;
	(pc) =	sbr.ind lr, $3  }
0x3a: {  	_ = 	snop  }
0x3b: {  	_ = 	snop  }
0x3c: {  	p2 =	seq.s32 s10, $0x1;
	s10 =	sld [smem:$0x3FB4]  }
0x3d: {  	_ =	shalt  }
0x3e: {  	_ =	shalt  }
0x3f: {  	_ =	shalt  }
0x40: {  	_ =	shalt  }
0x41: {  	_ =	shalt  }
0x42: {  	_ =	shalt  }
0x43: {  	_ =	shalt  }
0x44: {  	_ =	shalt  }
0x45: {  	_ =	shalt  }
0x46: {  	_ =	shalt  }
0x47: {  	_ =	shalt  }
0x48: {  	_ =	shalt  }
0x49: {  	_ =	shalt  }
0x4a: {  	_ =	shalt  }
0x4b: {  	_ =	shalt  }
0x4c: {  	_ =	shalt  }
0x4d: {  	_ =	shalt  }
0x4e: {  	_ =	shalt  }
0x4f: {  	_ =	shalt  }
0x50: {  	_ =	shalt  }
0x51: {  	_ =	shalt  }
0x52: {  	_ =	shalt  }
0x53: {  	_ =	shalt  }
0x54: {  	_ =	shalt  }
0x55: {  	_ =	shalt  }
0x56: {  	_ =	shalt  }
0x57: {  	_ =	shalt  }
0x58: {  	_ =	shalt  }
0x59: {  	_ =	shalt  }
0x5a: {  	_ =	shalt  }
0x5b: {  	_ =	shalt  }
0x5c: {  	_ =	shalt  }
0x5d: {  	_ =	shalt  }
0x5e: {  	_ =	shalt  }
0x5f: {  	_ =	shalt  }
0x60: {  	_ =	shalt  }
0x61: {  	_ =	shalt  }
0x62: {  	_ =	shalt  }
0x63: {  	_ =	shalt  }
0x64: {  	_ =	shalt  }
0x65: {  	_ =	shalt  }
0x66: {  	_ =	shalt  }
0x67: {  	_ =	shalt  }
0x68: {  	_ =	shalt  }
0x69: {  	_ =	shalt  }
0x6a: {  	_ =	shalt  }
0x6b: {  	_ =	shalt  }
0x6c: {  	_ =	shalt  }
0x6d: {  	_ =	shalt  }
0x6e: {  	_ =	shalt  }
0x6f: {  	_ =	shalt  }
0x70: {  	_ =	shalt  }
0x71: {  	_ =	shalt  }
0x72: {  	_ =	shalt  }
0x73: {  	_ =	shalt  }
0x74: {  	_ =	shalt  }
0x75: {  	_ =	shalt  }
0x76: {  	_ =	shalt  }
0x77: {  	_ =	shalt  }
0x78: {  	_ =	shalt  }
0x79: {  	_ =	shalt  }
0x7a: {  	_ =	shalt  }
0x7b: {  	_ =	shalt  }
0x7c: {  	_ =	shalt  }
0x7d: {  	_ =	shalt  }
0x7e: {  	_ =	shalt  }
0x7f: {  	_ =	shalt  }
0x80: {  	_ =	shalt  }
0x81: {  	_ =	shalt  }
0x82: {  	_ =	shalt  }
0x83: {  	_ =	shalt  }
0x84: {  	_ =	shalt  }
0x85: {  	_ =	shalt  }
0x86: {  	_ =	shalt  }
0x87: {  	_ =	shalt  }
.Lfunc_end0:
.L_simem_size_0:
called_computation_lowered:
.L_overlay_start_0:
0x88: {  	s2 =	sld [smem:$0x3FD9]  }
0x89: {  	s3 =	sld [smem:$0x3FFE];
	_ =	sdelay $0x1  }
0x8a: {  	s1 =	srdreg.scid  }
0x8b: {  	s0 =	sand.u32 $0x1, s1  }
0x8c: {  	s17 =	sshll.u32 s0, $0xA;
	s2 =	sadd.s32 s3, s2  }
0x8d: {  	s2 =	sadd.s32 s2, s17  }
0x8e: {  	[smem:$0x3FC0] =	sst s2  }
0x8f: {  	_ = 	snop  }
0x90: {  	s2 =	sld [smem:$0x3FC9]  }
0x91: {  	s18 =	sld [smem:$0x3FD0];
	(tm) =	ssettm $0x1  }
0x92: {  	s4 =	sld [smem:$0x3FFB];
	_ =	sdelay $0x3  }
0x93: {  	_ =	strace s4  }
0x94: {  	s4 =	sld [smem:$0x3FFC];
	_ =	sdelay $0x3  }
0x95: {  	_ =	strace s4  }
0x96: {  	s4 =	sld [smem:$0x3FFD];
	_ =	sdelay $0x3  }
0x97: {  	_ =	strace s4  }
0x98: {  	_ =	strace $0x8FFFFFFF  }
0x99: {  	s19 =	sld [smem:$0x3FDB];
	_ =	sdelay $0x1  }
0x9a: {  	s5 =	simm.s32 $_scs_section_size  }
0x9b: {  	s6 =	simm.s32 $_size__tile_overlayer_lowered;
	s7 =	simm.s32 $_tile_overlayer_lowered  }
0x9c: {  	s22 =	simm.s32 $0x1BFF;
	s21 =	sshll.u32 s7, $0x1;
	s4 =	sadd.s32 s5, s19  }
0x9d: {  	s8 =	simm.s32 $0x0;
	s20 =	sshll.u32 s6, $0x1;
	s6 =	sadd.s32 s21, s4  }
0x9e: {  	[timem:s8], [sflag:s22] =	dma.local [hbm:s6], s20  }
0x9f: {  	_ =	swait.ge [sflag:s22], s20  }
0xa0: {  	s5 =	ssub.s32 $0x0, s20;
	[sflag:s22] =	ssyncset.done $0x0  }
0xa1: {  	[sflag:s22] =	ssyncadd.s32 s5;
	_ =	sdelay $0x1  }
0xa2: {  	s23 =	simm.s32 $0x1B8B  }
0xa3: {  	_ =	swait.ge [sflag:s23], $0x1  }
0xa4: {  	[sflag:s23] =	ssyncset.done $0x0  }
0xa5: {  	s25 =	simm.s32 $0x1B8E;
	s24 =	sld [smem:$0x3FFE];
	[sflag:s23] =	ssyncadd.s32 $0xFFFFFFFF  }
0xa6: {  	s26 =	simm.s32 $execute0_lowered;
	[smem:$0x3FD2] =	sst s25  }
0xa7: {  	s6 =	sshll.u32 s26, $0x1;
	_ =	strace $0x80000046;
	[dreg:$0x1] =	wrdreg $0xFFFFFFFF  }
0xa8: {  	s28 =	simm.s32 $_size_execute0_lowered;
	s4 =	sadd.s32 s4, s6;
	[dreg:$0x0] =	wrdreg $0x0  }
0xa9: {  	s6 =	sshll.u32 s28, $0x1;
	[dreg:$0x2] =	wrdreg s4  }
0xaa: {  	[dreg:$0x3] =	wrdreg s6  }
0xab: {  	[dreg:$0x4] =	wrdreg $0xC0  }
0xac: {  	_ =	task [dreg:s8], $0x5FFFF  }
0xad: {  	[dreg:$0x1] =	wrdreg $0xFFFFFFFF  }
0xae: {  	[dreg:$0x0] =	wrdreg $0x60  }
0xaf: {  	[dreg:$0x2] =	wrdreg s2  }
0xb0: {  	[dreg:$0x3] =	wrdreg s18  }
0xb1: {  	[dreg:$0x4] =	wrdreg s24  }
0xb2: {  	[dreg:$0x5] =	wrdreg $0x41000  }
0xb3: {  	[dreg:$0x6] =	wrdreg $0x9  }
0xb4: {  	_ =	task.clear_ibuf [dreg:s8], $0x7FFFF;
	_ =	strace $0x90000046  }
0xb5: {  	s29 =	simm.s32 $0x9;
	_ =	strace $0x80000048  }
0xb6: {  	_ =	swait.ge [sflag:s29], $0x1  }
0xb7: {  	[sflag:s29] =	ssyncadd.s32 $0xFFFFFFFF  }
0xb8: {  	_ =	strace $0x90000048  }
0xb9: {  	_ =	sfence  }
0xba: {  	s30 =	sld [smem:$0x0];
	_ =	sdelay $0x2  }
0xbb: {  	s31 =	sshll.u32 s1, $0xD;
	s1 =	sshrl.u32 s1, $0x2  }
0xbc: {  	s3 =	sand.u32 $0x4000, s31;
	s1 =	sadd.s32 s1, s30  }
0xbd: {  	s0 =	sor.u32 s3, s0;
	s1 =	sshll.u32 s1, $0x11  }
0xbe: {  	s0 =	sor.u32 s1, s0  }
0xbf: {  	s0 =	sadd.s32 $0x8F2B, s0  }
0xc0: {  	[sflag:s0] =	ssyncadd.remote.s32 $0x1  }
0xc1: {  	_ =	sfence.sel $0xFFFF  }
0xc2: {  	[dreg:$0x0] =	wrdreg $0xFFFFFFFF;
	(pc) =	sbr.abs _section_cstart, $3  }
0xc3: {  	[dreg:$0x1] =	wrdreg $0xFFFFFFFF  }
0xc4: {  	_ =	task.clear_ibuf [dreg:s8], $0x2FFFF;
	_ =	strace $0x9FFFFFFF  }
0xc5: {  	(tm) =	ssettm $0x7FFFFFFF  }
tec
execute0_lowered:
.L_overlay_start_1:
0x0: {  	(tag) =	ssettag $0x1  }
0x1: {  	s1 =	rddreg [dreg:$0x0]  }
0x2: {  	s13 =	rddreg [dreg:$0x1]  }
0x3: {  	s4 =	rddreg [dreg:$0x2]  }
0x4: {  	s2 =	rddreg [dreg:$0x3]  }
0x5: {  	s5 =	srdreg.scid;
	s0 =	rddreg [dreg:$0x4]  }
0x6: {  	s3 =	simm.s32 $0x0;
	s20 =	simm.s32 $0x2;
	s21 =	simm.s32 $0x80  }
0x7: {  	s22 =	simm.s32 $0x100;
	s23 =	simm.s32 $0x1;
	s24 =	simm.s32 $0x0  }
0x8: {  	s11 =	sand.u32 $0x1, s5;
	[smem:$0x7FF] =	sst s3;
	s5 =	sadd.s32 $0xA800, s4  }
0x9: {  	s12 =	sadd.s32 $0xD000, s4;
	s14 =	smul.u32 $0x4F00, s11;
	_ =	strace $0x80000047  }
0xa: {  	s6 =	ssub.s32 $0x2, s11;
	p2 =	seq.s32 s11, $0x0;
	s17 =	smul.u32 $0x138800, s11  }
0xb: {  	s7 =	sshrl.u32 s6, $0x1;
	s15 =	sadd.s32 s14, s4;
	s4 =	stileid.u32  }
0xc: {  	s16 =	ssub.s32 s6, s7;
	s7 =	sadd.s32 $0x12C000, s2;
	s30 =	smul.u32 $0x50000, s4  }
0xd: {  	s14 =	sadd.s32 s14, s13;
	p0 =	sne.s32 s4, $0xF;
	s8 =	smul.u32 $0x14000, s4  }
0xe: {  	s9 =	smul.u32 $0x2800, s4;
	p1 =	por !p2, !p0;
	p0 =	seq.s32 s4, $0xF  }
0xf: {  	s31 =	smul.u32 $0x4F0, s4;
	p1 =	por !p1, !p1;
	p2 =	por !p2, !p0  }
0x10: {  	s6 =	sshrl.u32 s30, $0x2;
	s10 =	sadd.s32 s8, s17;
	s8 =	sadd.s32 $0x25800, s1  }
0x11: {  	s9 =	sadd.s32 s1, s9;
	s17 =	sshrl.u32 s17, $0x3;
	s15 =	sadd.s32 s31, s15  }
0x12: {  	s14 =	sadd.s32 s31, s14;
	p3 =	por !p2, !p2;
	s6 =	sadd.s32 s6, s2  }
0x13: {  	s10 =	sshrl.u32 s10, $0x3;
	s13 =	sadd.s32 $0xA00, s15;
	p2 =	por p3, p1  }
0x14: {  	s18 =	sshll.u32 @p1 s4, $0x6;
	s10 =	sadd.s32 s12, s10;
	p2 =	seq.s32 @!p2 s11, $0x0  }
0x15: {  	s12 =	sadd.s32 s12, s17;
	s18 =	sor.u32 @p1 $0x1C02, s18;
	p2 =	por @!p1 p2, p3  }
0x16: {  	s19 =	sshrl.u32 @p1 s6, $0x3;
	s11 =	sadd.s32 $0x25800, s12;
	p2 =	por p2, p1  }
0x17: {  	s12 =	smax.u32 s16, $0x1;
	p3 =	por !p3, p1;
	s15 =	sshll.u32 @!p2 s4, $0x6  }
0x18: {  	s17 =	sshrl.u32 @!p3 s7, $0x3;
	s16 =	sshrl.u32 @!p2 s6, $0x3;
	s15 =	sor.u32 @!p2 $0x1C02, s15  }
.LBB2_1:
0x19: {  	[spmem:s16], [sflag:s15] =	dma.local @!p2 [hbm:s5], $0x2800  }
0x1a: {  	s25 =	simm.s32 @!p2 $0x2  }
0x1b: {  	_ =	swait.ge @!p2 [sflag:s25], $0x2800  }
0x1c: {  	[sflag:s25] =	ssyncset.done @!p2 $0x0  }
0x1d: {  	[sflag:s25] =	ssyncadd.s32 @!p2 $0xFFFFD800;
	s25 =	simm.s32 @!p3 $0x1FC2  }
0x1e: {  	[spmem:s17], [sflag:s25] =	dma.local @!p3 [hbm:s8], $0x1900  }
0x1f: {  	s25 =	simm.s32 @!p3 $0x2  }
0x20: {  	_ =	swait.ge @!p3 [sflag:s25], $0x1900  }
0x21: {  	[sflag:s25] =	ssyncset.done @!p3 $0x0  }
0x22: {  	[sflag:s25] =	ssyncadd.s32 @!p3 $0xFFFFE700;
	s25 =	simm.s32 @p1 $0x2  }
0x23: {  	[spmem:s19], [sflag:s18] =	dma.local @p1 [hbm:s9], $0x2800  }
0x24: {  	_ =	swait.ge @p1 [sflag:s25], $0x2800  }
0x25: {  	[sflag:s25] =	ssyncset.done @p1 $0x0  }
0x26: {  	[sflag:s25] =	ssyncadd.s32 @p1 $0xFFFFD800  }
0x27: {  	s30 =	sadd.s32 $0x0, s14;
	[bflag:$0x0] =	sbarrier.arrive $0xFFFF  }
0x28: {  	[tilespmem:s3], [sflag:$0x2] =	stream.linear.gather [hbm4b:s30+s3], $0x80, $0x38;
	[tilespmem:$0x18100] =	vst v63  }
0x29: {  	_ =	swait.ge [sflag:s20], $0x80  }
0x2a: {  	[sflag:s20] =	ssyncset.done $0x0  }
0x2b: {  	s31 =	sadd.s32 $0x0, s13;
	[sflag:s20] =	ssyncadd.s32 $0xFFFFFF80  }
0x2c: {  	[tilespmem:s21], [sflag:$0x2] =	stream.linear.gather [hbm4b:s31+s3], $0x80, $0x38;
	[tilespmem:$0x18100] =	vst v63  }
0x2d: {  	_ =	swait.ge [sflag:s20], $0x80  }
0x2e: {  	[sflag:s20] =	ssyncset.done $0x0  }
0x2f: {  	[sflag:s20] =	ssyncadd.s32 $0xFFFFFF80  }
0x30: {  	[tilespmem:s22], [sflag:$0x1] =	stream.indirect.gather [hbm4b:s1+s21], $0x80, s3, s21, $0xb8;
	[tilespmem:$0x18100] =	vst v63  }
0x31: {  	_ =	swait.ge [sflag:s23], $0x4000  }
0x32: {  	p4 =	por @!p3 $0x1, $0x1;
	[sflag:s23] =	ssyncset.done $0x0  }
0x33: {  	p5 =	por p0, p0;
	s26 =	simm.s32 $0x20;
	[sflag:s23] =	ssyncadd.s32 $0xFFFFC000  }
0x34: {  	[spmem:s2] =	stream.indirect.scatter.add.f32 [tilespmem:s22], [sflag:$0x2], $0x80, s21, s21, $0xb8;
	[tilespmem:$0x18100] =	vst v63  }
0x35: {  	p5 =	por @!p3 p4, p4;
	p4 =	por @p1 $0x0, $0x0;
	_ =	swait.ge [sflag:s20], $0x4000  }
0x36: {  	p4 =	por @!p1 p5, p5;
	s25 =	simm.s32 $0x10;
	[sflag:s20] =	ssyncset.done $0x0  }
.LBB2_2:
0x37: {  	s28 =	sadd.s32 s25, s14  }
0x38: {  	[sflag:s20] =	ssyncadd.s32 $0xFFFFC000;
	s29 =	smov.u32 s26;
	s30 =	sadd.s32 $0x10, s26  }
0x39: {  	[tilespmem:s3], [sflag:$0x2] =	stream.linear.gather [hbm4b:s28+s3], $0x80, $0x38;
	[tilespmem:$0x18100] =	vst v63  }
0x3a: {  	p5 =	sne.s32 s26, $0x4E0;
	_ =	swait.ge [sflag:s20], $0x80  }
0x3b: {  	[sflag:s20] =	ssyncset.done $0x0  }
0x3c: {  	s26 =	sadd.s32 s25, s13;
	s25 =	smov.u32 s29;
	[sflag:s20] =	ssyncadd.s32 $0xFFFFFF80  }
0x3d: {  	[tilespmem:s21], [sflag:$0x2] =	stream.linear.gather [hbm4b:s26+s3], $0x80, $0x38;
	[tilespmem:$0x18100] =	vst v63  }
0x3e: {  	_ =	swait.ge [sflag:s20], $0x80  }
0x3f: {  	[sflag:s20] =	ssyncset.done $0x0  }
0x40: {  	[sflag:s20] =	ssyncadd.s32 $0xFFFFFF80  }
0x41: {  	[tilespmem:s22], [sflag:$0x1] =	stream.indirect.gather [hbm4b:s1+s21], $0x80, s3, s21, $0xb8;
	[tilespmem:$0x18100] =	vst v63  }
0x42: {  	_ =	swait.ge [sflag:s23], $0x4000  }
.Ltmp0:
0x43: {  	[sflag:s23] =	ssyncset.done $0x0;
	(pc) =	sbr.rel @p5 .LBB2_2-.Ltmp0, $4  }
0x44: {  	[sflag:s23] =	ssyncadd.s32 $0xFFFFC000  }
0x45: {  	[spmem:s2] =	stream.indirect.scatter.add.f32 [tilespmem:s22], [sflag:$0x2], $0x80, s21, s21, $0xb8;
	[tilespmem:$0x18100] =	vst v63  }
0x46: {  	_ =	swait.ge [sflag:s20], $0x4000  }
0x47: {  	s26 =	smov.u32 s30;
	[sflag:s20] =	ssyncset.done $0x0  }
0x48: {  	s26 =	sadd.s32 s25, s14;
	[sflag:s20] =	ssyncadd.s32 $0xFFFFC000  }
0x49: {  	[tilespmem:s3], [sflag:$0x2] =	stream.linear.gather [hbm4b:s26+s3], $0x80, $0x38;
	[tilespmem:$0x18100] =	vst v63  }
0x4a: {  	_ =	swait.ge [sflag:s20], $0x80  }
0x4b: {  	[sflag:s20] =	ssyncset.done $0x0  }
0x4c: {  	s31 =	sadd.s32 s25, s13;
	[sflag:s20] =	ssyncadd.s32 $0xFFFFFF80  }
0x4d: {  	[tilespmem:s21], [sflag:$0x2] =	stream.linear.gather [hbm4b:s31+s3], $0x80, $0x38;
	[tilespmem:$0x18100] =	vst v63  }
0x4e: {  	_ =	swait.ge [sflag:s20], $0x80  }
0x4f: {  	[sflag:s20] =	ssyncset.done $0x0  }
0x50: {  	[sflag:s20] =	ssyncadd.s32 $0xFFFFFF80  }
0x51: {  	[tilespmem:s22], [sflag:$0x1] =	stream.indirect.gather [hbm4b:s1+s21], $0x80, s3, s21, $0xb8;
	[tilespmem:$0x18100] =	vst v63  }
0x52: {  	_ =	swait.ge [sflag:s23], $0x4000  }
0x53: {  	[sflag:s23] =	ssyncset.done $0x0  }
0x54: {  	[sflag:s23] =	ssyncadd.s32 $0xFFFFC000  }
0x55: {  	[spmem:s2] =	stream.indirect.scatter.add.f32 [tilespmem:s22], [sflag:$0x2], $0x80, s21, s21, $0xb8;
	[tilespmem:$0x18100] =	vst v63  }
0x56: {  	_ =	swait.ge [sflag:s20], $0x4000  }
0x57: {  	[sflag:s20] =	ssyncset.done $0x0  }
0x58: {  	s25 =	sshll.u32 @!p0 s4, $0x6;
	[sflag:s20] =	ssyncadd.s32 $0xFFFFC000  }
0x59: {  	s25 =	sor.u32 @!p0 $0x1C02, s25;
	s26 =	sshrl.u32 @!p0 s6, $0x3;
	[bflag:$0x0] =	sbarrier.arrive $0xFFFF  }
0x5a: {  	[hbm:s10], [sflag:s25] =	dma.local @!p0 [spmem:s26], $0x2800  }
0x5b: {  	s25 =	simm.s32 @!p0 $0x2  }
0x5c: {  	s24 =	sadd.s32 $0x1, s24;
	_ =	swait.ge @!p0 [sflag:s25], $0x2800  }
0x5d: {  	p5 =	sne.s32 s24, s12;
	s26 =	sshll.u32 @p4 s4, $0x6;
	[sflag:s25] =	ssyncset.done @!p0 $0x0  }
0x5e: {  	[sflag:s25] =	ssyncadd.s32 @!p0 $0xFFFFD800;
	s25 =	sor.u32 @p4 $0x1C02, s26;
	s26 =	sshrl.u32 @p4 s7, $0x3  }
0x5f: {  	[hbm:s11], [sflag:s25] =	dma.local @p4 [spmem:s26], $0x1900  }
.Ltmp1:
0x60: {  	_ = 	snop;
	(pc) =	sbr.rel @p5 .LBB2_1-.Ltmp1, $4  }
0x61: {  	s25 =	simm.s32 @p4 $0x2  }
0x62: {  	_ =	swait.ge @p4 [sflag:s25], $0x1900  }
0x63: {  	[sflag:s25] =	ssyncset.done @p4 $0x0  }
0x64: {  	[sflag:s25] =	ssyncadd.s32 @p4 $0xFFFFE700  }
0x65: {  	_ =	sfence.sel $0x180000  }
0x66: {  	[bflag:$0x0] =	sbarrier.arrive $0xFFFF  }
0x67: {  	p0 =	sne.s32 s4, $0x0;
	_ =	strace $0x90000047  }
0x68: {  	s0 =	sadd.s32 @!p0 $0x100000, s0;
	[bflag:$0x2] =	sbarrier.arrive $0xFFFF  }
0x69: {  	[sflag:s0] =	ssyncadd.tile.s32 @!p0 $0x1;
	_ =	shalt  }
.Lfunc_end2:
_tile_overlayer_lowered:
.L_overlay_start_2:
0x6a: {  	(tag) =	ssettag $0x2  }
0x6b: {  	s0 =	rddreg [dreg:$0x0];
	s2 =	stileid.u32  }
0x6c: {  	s1 =	rddreg [dreg:$0x1];
	p0 =	sne.s32 s2, $0x0  }
0x6d: {  	s3 =	rddreg [dreg:$0x2];
	[bflag:$0x3] =	sbarrier.arrive $0xFFFF;
	s2 =	simm.s32 @!p0 $0x1C02  }
0x6e: {  	[timem:s3], [sflag:s2] =	dma.local @!p0 [hbm:s0], s1  }
0x6f: {  	s0 =	simm.s32 @!p0 $0x2  }
0x70: {  	_ =	swait.ge @!p0 [sflag:s0], s1  }
0x71: {  	s1 =	ssub.s32 @!p0 $0x0, s1;
	[sflag:s0] =	ssyncset.done @!p0 $0x0  }
0x72: {  	[sflag:s0] =	ssyncadd.s32 @!p0 s1  }
0x73: {  	[bflag:$0x3] =	sbarrier.arrive $0xFFFF  }
0x74: {  	_ =	shalt  }

</sc_bundles>
